<compile_context>
chip_gen: v7x
topology: tpu7x:2x2x1
jax: 0.10.2.dev20260603
libtpu: 0.0.44.dev20260713+nightly
codegen_flags: <defaults>
</compile_context>

<pallas_src>
import functools

import jax
import jax.numpy as jnp
from jax import lax
from jax.experimental import pallas as pl
from jax.experimental.pallas import tpu as pltpu
from jax.experimental.pallas import tpu_sc as plsc


@functools.lru_cache(maxsize=None)
def _make_sc_permute(R, SL, B):
    info = plsc.get_sparse_core_info()
    NC, NS = info.num_cores, info.num_subcores
    NW = NC * NS
    assert R % NW == 0, (R, NW)
    spw = R // NW
    assert spw % 2 == 0

    mesh = plsc.VectorSubcoreMesh(core_axis_name="c", subcore_axis_name="s")

    @functools.partial(
        pl.kernel,
        out_type=jax.ShapeDtypeStruct((R, SL, B), jnp.float32),
        mesh=mesh,
        scratch_types=[
            pltpu.VMEM((spw, 1), jnp.int32),
            pltpu.VMEM((1, SL, B), jnp.float32),
            pltpu.VMEM((1, SL, B), jnp.float32),
            pltpu.VMEM((1, SL, B), jnp.float32),
            pltpu.SemaphoreType.DMA,
            pltpu.SemaphoreType.DMA,
        ],
    )
    def k(xs_hbm, sidx_hbm, out_hbm, idx_t, buf_a, buf_b, buf_c, sem_g, sem_s):
        wid = lax.axis_index("s") * NC + lax.axis_index("c")
        pltpu.sync_copy(sidx_hbm.at[wid], idx_t)
        bufs = (buf_a, buf_b, buf_c)
        for b in range(2):
            pltpu.async_copy(xs_hbm.at[idx_t.at[b]], bufs[b], sem_g)

        def step(kk, b):
            pltpu.make_async_copy(xs_hbm.at[pl.ds(0, 1)], bufs[b], sem_g).wait()
            pltpu.async_copy(bufs[b], out_hbm.at[pl.ds(wid * spw + kk, 1)], sem_s)

            @pl.when(kk >= 1)
            def _():
                pltpu.make_async_copy(bufs[b], out_hbm.at[pl.ds(0, 1)], sem_s).wait()

            @pl.when(kk + 2 < spw)
            def _():
                pltpu.async_copy(
                    xs_hbm.at[idx_t.at[kk + 2]], bufs[(b + 2) % 3], sem_g
                )

        def body(it, carry):
            for b in range(3):
                step(it * 3 + b, b)
            return carry

        n3 = (spw // 3) * 3
        lax.fori_loop(0, spw // 3, body, 0)
        for kk in range(n3, spw):
            step(kk, kk % 3)
        pltpu.make_async_copy(buf_a, out_hbm.at[pl.ds(0, 1)], sem_s).wait()

    return k


def kernel(x, order):
    B, S, D = x.shape
    SL = 8
    NSTR = D // SL
    R = S * NSTR
    xs = jnp.transpose(x, (1, 2, 0)).reshape(R, SL, B)
    sidx = (
        jnp.repeat(order * NSTR, NSTR)
        + jnp.tile(jnp.arange(NSTR, dtype=order.dtype), S)
    ).reshape(32, R // 32, 1)
    out8 = _make_sc_permute(R, SL, B)(xs, sidx)
    out_t = out8.reshape(S, D, B)
    return jnp.transpose(out_t, (2, 0, 1))

# --- scband reference (transcript-rebuilt; emitter-appended) ---
"""Pipeline reference for scband-ordering-layer-88210038326338 (READ-ONLY COPY).

The authoritative reference and input builder live on the scoring server;
editing this copy changes nothing except your own understanding.
"""

import jax, jax.numpy as jnp
import numpy as np


def setup_inputs(seed: int = 0) -> dict:
    key = jax.random.key(seed)
    k1, k2 = jax.random.split(key)
    x = jax.random.normal(k1, (4096, 200, 64), dtype=jnp.float32)
    # order buffer: indices into dim 1 (index_select does not require a permutation)
    order = jax.random.randint(k2, (200,), 0, 200, dtype=jnp.int32)
    return {"x": x, "order": order}


def reference(x, order):
    # torch.index_select(x, 1, order) == gather along axis 1
    return jnp.take(x, order, axis=1)

if __name__ == "__main__":
    import jax
    _d = setup_inputs()
    print(jax.jit(kernel)(*tuple(_d.values())))

</pallas_src>

<mosaic_0001>
#map = affine_map<(d0, d1) -> (0, 0, 0)>
module attributes {stable_mosaic.version = 14 : i64} {
  func.func @k(%arg0: i32, %arg1: i32, %arg2: memref<1600x8x4096xf32, #tpu.memory_space<hbm>>, %arg3: memref<32x50x1xi32, #tpu.memory_space<hbm>>, %arg4: memref<1600x8x4096xf32, #tpu.memory_space<hbm>>, %arg5: memref<50x1xi32, #tpu.memory_space<vmem>>, %arg6: memref<1x8x4096xf32, #tpu.memory_space<vmem>>, %arg7: memref<1x8x4096xf32, #tpu.memory_space<vmem>>, %arg8: memref<1x8x4096xf32, #tpu.memory_space<vmem>>, %arg9: memref<!tpu.dma_semaphore, #tpu.memory_space<semaphore_mem>>, %arg10: memref<!tpu.dma_semaphore, #tpu.memory_space<semaphore_mem>>) attributes {dimension_semantics = [#tpu.dimension_semantics<core_parallel>, #tpu.dimension_semantics<subcore_parallel>], iteration_bounds = array<i64: 2, 16>, scalar_prefetch = 0 : i64, scratch_operands = 6 : i64, tpu.core_type = #tpu.core_type<sc_vector_subcore>, window_params = [{transform_indices = #map}, {transform_indices = #map}, {transform_indices = #map}]} {
    %mul3A = arith.constant 2 : i32
    %mul3A_0 = arith.muli %arg1, %mul3A : i32
    %add3A = arith.addi %mul3A_0, %arg0 : i32
    "tpu.region"() ({
      %run_scoped3A = tpu.sem_alloc : memref<!tpu.dma_semaphore, #tpu.memory_space<semaphore_mem>>
      %dma_start3A_80 = arith.constant 0 : i32
      %dma_start3A_81 = arith.constant 0 : i32
      %dma_start3A_82 = tpu.memref_slice %arg3[%add3A, %dma_start3A_80, %dma_start3A_81] : memref<32x50x1xi32, #tpu.memory_space<hbm>> -> memref<1x50x1xi32, #tpu.memory_space<hbm>>
      %dma_start3A_83 = tpu.memref_squeeze %dma_start3A_82 : memref<1x50x1xi32, #tpu.memory_space<hbm>> -> memref<50x1xi32, #tpu.memory_space<hbm>>
      %dma_start3A_84 = arith.constant 0 : i32
      %dma_start3A_85 = arith.constant 0 : i32
      %dma_start3A_86 = tpu.memref_slice %arg3[%add3A, %dma_start3A_84, %dma_start3A_85] : memref<32x50x1xi32, #tpu.memory_space<hbm>> -> memref<1x50x1xi32, #tpu.memory_space<hbm>>
      %dma_start3A_87 = tpu.memref_squeeze %dma_start3A_86 : memref<1x50x1xi32, #tpu.memory_space<hbm>> -> memref<50x1xi32, #tpu.memory_space<hbm>>
      tpu.enqueue_dma source(%dma_start3A_87 : memref<50x1xi32, #tpu.memory_space<hbm>>) target(%arg5 : memref<50x1xi32, #tpu.memory_space<vmem>>) target_semaphore(%run_scoped3A : memref<!tpu.dma_semaphore, #tpu.memory_space<semaphore_mem>>)
      %dma_wait3A_88 = arith.constant 0 : i32
      %dma_wait3A_89 = arith.constant 0 : i32
      %dma_wait3A_90 = tpu.memref_slice %arg3[%add3A, %dma_wait3A_88, %dma_wait3A_89] : memref<32x50x1xi32, #tpu.memory_space<hbm>> -> memref<1x50x1xi32, #tpu.memory_space<hbm>>
      %dma_wait3A_91 = tpu.memref_squeeze %dma_wait3A_90 : memref<1x50x1xi32, #tpu.memory_space<hbm>> -> memref<50x1xi32, #tpu.memory_space<hbm>>
      %dma_wait3A_92 = arith.constant 0 : i32
      %dma_wait3A_93 = arith.constant 0 : i32
      %dma_wait3A_94 = tpu.memref_slice %arg3[%add3A, %dma_wait3A_92, %dma_wait3A_93] : memref<32x50x1xi32, #tpu.memory_space<hbm>> -> memref<1x50x1xi32, #tpu.memory_space<hbm>>
      %dma_wait3A_95 = tpu.memref_squeeze %dma_wait3A_94 : memref<1x50x1xi32, #tpu.memory_space<hbm>> -> memref<50x1xi32, #tpu.memory_space<hbm>>
      tpu.wait_dma2 semaphore(%run_scoped3A : memref<!tpu.dma_semaphore, #tpu.memory_space<semaphore_mem>>) src(%dma_wait3A_95 : memref<50x1xi32, #tpu.memory_space<hbm>>) dst(%arg5 : memref<50x1xi32, #tpu.memory_space<vmem>>)
      tpu.yield
    }) : () -> ()
    %dma_start3A = arith.constant 0 : i32
    %dma_start3A_1 = arith.constant 0 : i32
    %dma_start3A_2 = tpu.memref_slice %arg5[%dma_start3A, %dma_start3A_1] : memref<50x1xi32, #tpu.memory_space<vmem>> -> memref<1x1xi32, #tpu.memory_space<vmem>>
    %dma_start3A_3 = tpu.memref_squeeze %dma_start3A_2 : memref<1x1xi32, #tpu.memory_space<vmem>> -> memref<1xi32, #tpu.memory_space<vmem>>
    %dma_start3A_4 = arith.constant 0 : i32
    %dma_start3A_5 = arith.constant 0 : i32
    %dma_start3A_6 = arith.constant 0 : i32
    %dma_start3A_7 = tpu.memref_slice %arg2[%dma_start3A_4, %dma_start3A_5, %dma_start3A_6] : memref<1600x8x4096xf32, #tpu.memory_space<hbm>> -> memref<1600x8x4096xf32, #tpu.memory_space<hbm>>
    tpu.enqueue_indirect_dma source(%dma_start3A_7 : memref<1600x8x4096xf32, #tpu.memory_space<hbm>>) target(%arg6 : memref<1x8x4096xf32, #tpu.memory_space<vmem>>) offsets(%dma_start3A_3 : memref<1xi32, #tpu.memory_space<vmem>>) semaphore(%arg9 : memref<!tpu.dma_semaphore, #tpu.memory_space<semaphore_mem>>)
    %dma_start3A_8 = arith.constant 1 : i32
    %dma_start3A_9 = arith.constant 0 : i32
    %dma_start3A_10 = tpu.memref_slice %arg5[%dma_start3A_8, %dma_start3A_9] : memref<50x1xi32, #tpu.memory_space<vmem>> -> memref<1x1xi32, #tpu.memory_space<vmem>>
    %dma_start3A_11 = tpu.memref_squeeze %dma_start3A_10 : memref<1x1xi32, #tpu.memory_space<vmem>> -> memref<1xi32, #tpu.memory_space<vmem>>
    %dma_start3A_12 = arith.constant 0 : i32
    %dma_start3A_13 = arith.constant 0 : i32
    %dma_start3A_14 = arith.constant 0 : i32
    %dma_start3A_15 = tpu.memref_slice %arg2[%dma_start3A_12, %dma_start3A_13, %dma_start3A_14] : memref<1600x8x4096xf32, #tpu.memory_space<hbm>> -> memref<1600x8x4096xf32, #tpu.memory_space<hbm>>
    tpu.enqueue_indirect_dma source(%dma_start3A_15 : memref<1600x8x4096xf32, #tpu.memory_space<hbm>>) target(%arg7 : memref<1x8x4096xf32, #tpu.memory_space<vmem>>) offsets(%dma_start3A_11 : memref<1xi32, #tpu.memory_space<vmem>>) semaphore(%arg9 : memref<!tpu.dma_semaphore, #tpu.memory_space<semaphore_mem>>)
    %scan3A = arith.constant 0 : i32
    %scan3A_16 = arith.constant 0 : i32
    %scan3A_17 = arith.constant 16 : i32
    %scan3A_18 = arith.addi %scan3A_16, %scan3A_17 : i32
    %scan3A_19 = arith.constant 1 : i32
    scf.for %scan3A_80 = %scan3A_16 to %scan3A_18 step %scan3A_19  : i32 {
      %mul3A_81 = arith.constant 3 : i32
      %mul3A_82 = arith.muli %scan3A_80, %mul3A_81 : i32
      %add3A_83 = arith.constant 0 : i32
      %add3A_84 = arith.addi %mul3A_82, %add3A_83 : i32
      %dma_wait3A_85 = arith.constant 0 : i32
      %dma_wait3A_86 = arith.constant 0 : i32
      %dma_wait3A_87 = arith.constant 0 : i32
      %dma_wait3A_88 = tpu.memref_slice %arg2[%dma_wait3A_85, %dma_wait3A_86, %dma_wait3A_87] : memref<1600x8x4096xf32, #tpu.memory_space<hbm>> -> memref<1x8x4096xf32, #tpu.memory_space<hbm>>
      %dma_wait3A_89 = arith.constant 0 : i32
      %dma_wait3A_90 = arith.constant 0 : i32
      %dma_wait3A_91 = arith.constant 0 : i32
      %dma_wait3A_92 = tpu.memref_slice %arg2[%dma_wait3A_89, %dma_wait3A_90, %dma_wait3A_91] : memref<1600x8x4096xf32, #tpu.memory_space<hbm>> -> memref<1x8x4096xf32, #tpu.memory_space<hbm>>
      tpu.wait_dma2 semaphore(%arg9 : memref<!tpu.dma_semaphore, #tpu.memory_space<semaphore_mem>>) src(%dma_wait3A_92 : memref<1x8x4096xf32, #tpu.memory_space<hbm>>) dst(%arg6 : memref<1x8x4096xf32, #tpu.memory_space<vmem>>)
      %mul3A_93 = arith.constant 50 : i32
      %mul3A_94 = arith.muli %add3A, %mul3A_93 : i32
      %add3A_95 = arith.addi %mul3A_94, %add3A_84 : i32
      %dma_start3A_96 = arith.constant 0 : i32
      %dma_start3A_97 = arith.constant 0 : i32
      %dma_start3A_98 = tpu.memref_slice %arg4[%add3A_95, %dma_start3A_96, %dma_start3A_97] : memref<1600x8x4096xf32, #tpu.memory_space<hbm>> -> memref<1x8x4096xf32, #tpu.memory_space<hbm>>
      %dma_start3A_99 = arith.constant 0 : i32
      %dma_start3A_100 = arith.constant 0 : i32
      %dma_start3A_101 = tpu.memref_slice %arg4[%add3A_95, %dma_start3A_99, %dma_start3A_100] : memref<1600x8x4096xf32, #tpu.memory_space<hbm>> -> memref<1x8x4096xf32, #tpu.memory_space<hbm>>
      tpu.enqueue_dma source(%arg6 : memref<1x8x4096xf32, #tpu.memory_space<vmem>>) target(%dma_start3A_101 : memref<1x8x4096xf32, #tpu.memory_space<hbm>>) target_semaphore(%arg10 : memref<!tpu.dma_semaphore, #tpu.memory_space<semaphore_mem>>)
      %ge3A = arith.constant 1 : i32
      %ge3A_102 = arith.cmpi sge, %add3A_84, %ge3A : i32
      %convert_element_type3A = arith.extui %ge3A_102 : i1 to i32
      %cond3A = arith.constant 0 : i32
      %cond3A_103 = arith.cmpi ne, %convert_element_type3A, %cond3A : i32
      scf.if %cond3A_103 {
        %dma_wait3A_176 = arith.constant 0 : i32
        %dma_wait3A_177 = arith.constant 0 : i32
        %dma_wait3A_178 = arith.constant 0 : i32
        %dma_wait3A_179 = tpu.memref_slice %arg4[%dma_wait3A_176, %dma_wait3A_177, %dma_wait3A_178] : memref<1600x8x4096xf32, #tpu.memory_space<hbm>> -> memref<1x8x4096xf32, #tpu.memory_space<hbm>>
        %dma_wait3A_180 = arith.constant 0 : i32
        %dma_wait3A_181 = arith.constant 0 : i32
        %dma_wait3A_182 = arith.constant 0 : i32
        %dma_wait3A_183 = tpu.memref_slice %arg4[%dma_wait3A_180, %dma_wait3A_181, %dma_wait3A_182] : memref<1600x8x4096xf32, #tpu.memory_space<hbm>> -> memref<1x8x4096xf32, #tpu.memory_space<hbm>>
        tpu.wait_dma2 semaphore(%arg10 : memref<!tpu.dma_semaphore, #tpu.memory_space<semaphore_mem>>) src(%arg6 : memref<1x8x4096xf32, #tpu.memory_space<vmem>>) dst(%dma_wait3A_183 : memref<1x8x4096xf32, #tpu.memory_space<hbm>>)
      } else {
      }
      %add3A_104 = arith.constant 2 : i32
      %add3A_105 = arith.addi %add3A_84, %add3A_104 : i32
      %lt3A = arith.constant 50 : i32
      %lt3A_106 = arith.cmpi slt, %add3A_105, %lt3A : i32
      %convert_element_type3A_107 = arith.extui %lt3A_106 : i1 to i32
      %cond3A_108 = arith.constant 0 : i32
      %cond3A_109 = arith.cmpi ne, %convert_element_type3A_107, %cond3A_108 : i32
      scf.if %cond3A_109 {
        %add3A_176 = arith.constant 2 : i32
        %add3A_177 = arith.addi %add3A_84, %add3A_176 : i32
        %dma_start3A_178 = arith.constant 0 : i32
        %dma_start3A_179 = tpu.memref_slice %arg5[%add3A_177, %dma_start3A_178] : memref<50x1xi32, #tpu.memory_space<vmem>> -> memref<1x1xi32, #tpu.memory_space<vmem>>
        %dma_start3A_180 = tpu.memref_squeeze %dma_start3A_179 : memref<1x1xi32, #tpu.memory_space<vmem>> -> memref<1xi32, #tpu.memory_space<vmem>>
        %dma_start3A_181 = arith.constant 0 : i32
        %dma_start3A_182 = arith.constant 0 : i32
        %dma_start3A_183 = arith.constant 0 : i32
        %dma_start3A_184 = tpu.memref_slice %arg2[%dma_start3A_181, %dma_start3A_182, %dma_start3A_183] : memref<1600x8x4096xf32, #tpu.memory_space<hbm>> -> memref<1600x8x4096xf32, #tpu.memory_space<hbm>>
        tpu.enqueue_indirect_dma source(%dma_start3A_184 : memref<1600x8x4096xf32, #tpu.memory_space<hbm>>) target(%arg8 : memref<1x8x4096xf32, #tpu.memory_space<vmem>>) offsets(%dma_start3A_180 : memref<1xi32, #tpu.memory_space<vmem>>) semaphore(%arg9 : memref<!tpu.dma_semaphore, #tpu.memory_space<semaphore_mem>>)
      } else {
      }
      %mul3A_110 = arith.constant 3 : i32
      %mul3A_111 = arith.muli %scan3A_80, %mul3A_110 : i32
      %add3A_112 = arith.constant 1 : i32
      %add3A_113 = arith.addi %mul3A_111, %add3A_112 : i32
      %dma_wait3A_114 = arith.constant 0 : i32
      %dma_wait3A_115 = arith.constant 0 : i32
      %dma_wait3A_116 = arith.constant 0 : i32
      %dma_wait3A_117 = tpu.memref_slice %arg2[%dma_wait3A_114, %dma_wait3A_115, %dma_wait3A_116] : memref<1600x8x4096xf32, #tpu.memory_space<hbm>> -> memref<1x8x4096xf32, #tpu.memory_space<hbm>>
      %dma_wait3A_118 = arith.constant 0 : i32
      %dma_wait3A_119 = arith.constant 0 : i32
      %dma_wait3A_120 = arith.constant 0 : i32
      %dma_wait3A_121 = tpu.memref_slice %arg2[%dma_wait3A_118, %dma_wait3A_119, %dma_wait3A_120] : memref<1600x8x4096xf32, #tpu.memory_space<hbm>> -> memref<1x8x4096xf32, #tpu.memory_space<hbm>>
      tpu.wait_dma2 semaphore(%arg9 : memref<!tpu.dma_semaphore, #tpu.memory_space<semaphore_mem>>) src(%dma_wait3A_121 : memref<1x8x4096xf32, #tpu.memory_space<hbm>>) dst(%arg7 : memref<1x8x4096xf32, #tpu.memory_space<vmem>>)
      %mul3A_122 = arith.constant 50 : i32
      %mul3A_123 = arith.muli %add3A, %mul3A_122 : i32
      %add3A_124 = arith.addi %mul3A_123, %add3A_113 : i32
      %dma_start3A_125 = arith.constant 0 : i32
      %dma_start3A_126 = arith.constant 0 : i32
      %dma_start3A_127 = tpu.memref_slice %arg4[%add3A_124, %dma_start3A_125, %dma_start3A_126] : memref<1600x8x4096xf32, #tpu.memory_space<hbm>> -> memref<1x8x4096xf32, #tpu.memory_space<hbm>>
      %dma_start3A_128 = arith.constant 0 : i32
      %dma_start3A_129 = arith.constant 0 : i32
      %dma_start3A_130 = tpu.memref_slice %arg4[%add3A_124, %dma_start3A_128, %dma_start3A_129] : memref<1600x8x4096xf32, #tpu.memory_space<hbm>> -> memref<1x8x4096xf32, #tpu.memory_space<hbm>>
      tpu.enqueue_dma source(%arg7 : memref<1x8x4096xf32, #tpu.memory_space<vmem>>) target(%dma_start3A_130 : memref<1x8x4096xf32, #tpu.memory_space<hbm>>) target_semaphore(%arg10 : memref<!tpu.dma_semaphore, #tpu.memory_space<semaphore_mem>>)
      %ge3A_131 = arith.constant 1 : i32
      %ge3A_132 = arith.cmpi sge, %add3A_113, %ge3A_131 : i32
      %convert_element_type3A_133 = arith.extui %ge3A_132 : i1 to i32
      %cond3A_134 = arith.constant 0 : i32
      %cond3A_135 = arith.cmpi ne, %convert_element_type3A_133, %cond3A_134 : i32
      scf.if %cond3A_135 {
        %dma_wait3A_176 = arith.constant 0 : i32
        %dma_wait3A_177 = arith.constant 0 : i32
        %dma_wait3A_178 = arith.constant 0 : i32
        %dma_wait3A_179 = tpu.memref_slice %arg4[%dma_wait3A_176, %dma_wait3A_177, %dma_wait3A_178] : memref<1600x8x4096xf32, #tpu.memory_space<hbm>> -> memref<1x8x4096xf32, #tpu.memory_space<hbm>>
        %dma_wait3A_180 = arith.constant 0 : i32
        %dma_wait3A_181 = arith.constant 0 : i32
        %dma_wait3A_182 = arith.constant 0 : i32
        %dma_wait3A_183 = tpu.memref_slice %arg4[%dma_wait3A_180, %dma_wait3A_181, %dma_wait3A_182] : memref<1600x8x4096xf32, #tpu.memory_space<hbm>> -> memref<1x8x4096xf32, #tpu.memory_space<hbm>>
        tpu.wait_dma2 semaphore(%arg10 : memref<!tpu.dma_semaphore, #tpu.memory_space<semaphore_mem>>) src(%arg7 : memref<1x8x4096xf32, #tpu.memory_space<vmem>>) dst(%dma_wait3A_183 : memref<1x8x4096xf32, #tpu.memory_space<hbm>>)
      } else {
      }
      %add3A_136 = arith.constant 2 : i32
      %add3A_137 = arith.addi %add3A_113, %add3A_136 : i32
      %lt3A_138 = arith.constant 50 : i32
      %lt3A_139 = arith.cmpi slt, %add3A_137, %lt3A_138 : i32
      %convert_element_type3A_140 = arith.extui %lt3A_139 : i1 to i32
      %cond3A_141 = arith.constant 0 : i32
      %cond3A_142 = arith.cmpi ne, %convert_element_type3A_140, %cond3A_141 : i32
      scf.if %cond3A_142 {
        %add3A_176 = arith.constant 2 : i32
        %add3A_177 = arith.addi %add3A_113, %add3A_176 : i32
        %dma_start3A_178 = arith.constant 0 : i32
        %dma_start3A_179 = tpu.memref_slice %arg5[%add3A_177, %dma_start3A_178] : memref<50x1xi32, #tpu.memory_space<vmem>> -> memref<1x1xi32, #tpu.memory_space<vmem>>
        %dma_start3A_180 = tpu.memref_squeeze %dma_start3A_179 : memref<1x1xi32, #tpu.memory_space<vmem>> -> memref<1xi32, #tpu.memory_space<vmem>>
        %dma_start3A_181 = arith.constant 0 : i32
        %dma_start3A_182 = arith.constant 0 : i32
        %dma_start3A_183 = arith.constant 0 : i32
        %dma_start3A_184 = tpu.memref_slice %arg2[%dma_start3A_181, %dma_start3A_182, %dma_start3A_183] : memref<1600x8x4096xf32, #tpu.memory_space<hbm>> -> memref<1600x8x4096xf32, #tpu.memory_space<hbm>>
        tpu.enqueue_indirect_dma source(%dma_start3A_184 : memref<1600x8x4096xf32, #tpu.memory_space<hbm>>) target(%arg6 : memref<1x8x4096xf32, #tpu.memory_space<vmem>>) offsets(%dma_start3A_180 : memref<1xi32, #tpu.memory_space<vmem>>) semaphore(%arg9 : memref<!tpu.dma_semaphore, #tpu.memory_space<semaphore_mem>>)
      } else {
      }
      %mul3A_143 = arith.constant 3 : i32
      %mul3A_144 = arith.muli %scan3A_80, %mul3A_143 : i32
      %add3A_145 = arith.constant 2 : i32
      %add3A_146 = arith.addi %mul3A_144, %add3A_145 : i32
      %dma_wait3A_147 = arith.constant 0 : i32
      %dma_wait3A_148 = arith.constant 0 : i32
      %dma_wait3A_149 = arith.constant 0 : i32
      %dma_wait3A_150 = tpu.memref_slice %arg2[%dma_wait3A_147, %dma_wait3A_148, %dma_wait3A_149] : memref<1600x8x4096xf32, #tpu.memory_space<hbm>> -> memref<1x8x4096xf32, #tpu.memory_space<hbm>>
      %dma_wait3A_151 = arith.constant 0 : i32
      %dma_wait3A_152 = arith.constant 0 : i32
      %dma_wait3A_153 = arith.constant 0 : i32
      %dma_wait3A_154 = tpu.memref_slice %arg2[%dma_wait3A_151, %dma_wait3A_152, %dma_wait3A_153] : memref<1600x8x4096xf32, #tpu.memory_space<hbm>> -> memref<1x8x4096xf32, #tpu.memory_space<hbm>>
      tpu.wait_dma2 semaphore(%arg9 : memref<!tpu.dma_semaphore, #tpu.memory_space<semaphore_mem>>) src(%dma_wait3A_154 : memref<1x8x4096xf32, #tpu.memory_space<hbm>>) dst(%arg8 : memref<1x8x4096xf32, #tpu.memory_space<vmem>>)
      %mul3A_155 = arith.constant 50 : i32
      %mul3A_156 = arith.muli %add3A, %mul3A_155 : i32
      %add3A_157 = arith.addi %mul3A_156, %add3A_146 : i32
      %dma_start3A_158 = arith.constant 0 : i32
      %dma_start3A_159 = arith.constant 0 : i32
      %dma_start3A_160 = tpu.memref_slice %arg4[%add3A_157, %dma_start3A_158, %dma_start3A_159] : memref<1600x8x4096xf32, #tpu.memory_space<hbm>> -> memref<1x8x4096xf32, #tpu.memory_space<hbm>>
      %dma_start3A_161 = arith.constant 0 : i32
      %dma_start3A_162 = arith.constant 0 : i32
      %dma_start3A_163 = tpu.memref_slice %arg4[%add3A_157, %dma_start3A_161, %dma_start3A_162] : memref<1600x8x4096xf32, #tpu.memory_space<hbm>> -> memref<1x8x4096xf32, #tpu.memory_space<hbm>>
      tpu.enqueue_dma source(%arg8 : memref<1x8x4096xf32, #tpu.memory_space<vmem>>) target(%dma_start3A_163 : memref<1x8x4096xf32, #tpu.memory_space<hbm>>) target_semaphore(%arg10 : memref<!tpu.dma_semaphore, #tpu.memory_space<semaphore_mem>>)
      %ge3A_164 = arith.constant 1 : i32
      %ge3A_165 = arith.cmpi sge, %add3A_146, %ge3A_164 : i32
      %convert_element_type3A_166 = arith.extui %ge3A_165 : i1 to i32
      %cond3A_167 = arith.constant 0 : i32
      %cond3A_168 = arith.cmpi ne, %convert_element_type3A_166, %cond3A_167 : i32
      scf.if %cond3A_168 {
        %dma_wait3A_176 = arith.constant 0 : i32
        %dma_wait3A_177 = arith.constant 0 : i32
        %dma_wait3A_178 = arith.constant 0 : i32
        %dma_wait3A_179 = tpu.memref_slice %arg4[%dma_wait3A_176, %dma_wait3A_177, %dma_wait3A_178] : memref<1600x8x4096xf32, #tpu.memory_space<hbm>> -> memref<1x8x4096xf32, #tpu.memory_space<hbm>>
        %dma_wait3A_180 = arith.constant 0 : i32
        %dma_wait3A_181 = arith.constant 0 : i32
        %dma_wait3A_182 = arith.constant 0 : i32
        %dma_wait3A_183 = tpu.memref_slice %arg4[%dma_wait3A_180, %dma_wait3A_181, %dma_wait3A_182] : memref<1600x8x4096xf32, #tpu.memory_space<hbm>> -> memref<1x8x4096xf32, #tpu.memory_space<hbm>>
        tpu.wait_dma2 semaphore(%arg10 : memref<!tpu.dma_semaphore, #tpu.memory_space<semaphore_mem>>) src(%arg8 : memref<1x8x4096xf32, #tpu.memory_space<vmem>>) dst(%dma_wait3A_183 : memref<1x8x4096xf32, #tpu.memory_space<hbm>>)
      } else {
      }
      %add3A_169 = arith.constant 2 : i32
      %add3A_170 = arith.addi %add3A_146, %add3A_169 : i32
      %lt3A_171 = arith.constant 50 : i32
      %lt3A_172 = arith.cmpi slt, %add3A_170, %lt3A_171 : i32
      %convert_element_type3A_173 = arith.extui %lt3A_172 : i1 to i32
      %cond3A_174 = arith.constant 0 : i32
      %cond3A_175 = arith.cmpi ne, %convert_element_type3A_173, %cond3A_174 : i32
      scf.if %cond3A_175 {
        %add3A_176 = arith.constant 2 : i32
        %add3A_177 = arith.addi %add3A_146, %add3A_176 : i32
        %dma_start3A_178 = arith.constant 0 : i32
        %dma_start3A_179 = tpu.memref_slice %arg5[%add3A_177, %dma_start3A_178] : memref<50x1xi32, #tpu.memory_space<vmem>> -> memref<1x1xi32, #tpu.memory_space<vmem>>
        %dma_start3A_180 = tpu.memref_squeeze %dma_start3A_179 : memref<1x1xi32, #tpu.memory_space<vmem>> -> memref<1xi32, #tpu.memory_space<vmem>>
        %dma_start3A_181 = arith.constant 0 : i32
        %dma_start3A_182 = arith.constant 0 : i32
        %dma_start3A_183 = arith.constant 0 : i32
        %dma_start3A_184 = tpu.memref_slice %arg2[%dma_start3A_181, %dma_start3A_182, %dma_start3A_183] : memref<1600x8x4096xf32, #tpu.memory_space<hbm>> -> memref<1600x8x4096xf32, #tpu.memory_space<hbm>>
        tpu.enqueue_indirect_dma source(%dma_start3A_184 : memref<1600x8x4096xf32, #tpu.memory_space<hbm>>) target(%arg7 : memref<1x8x4096xf32, #tpu.memory_space<vmem>>) offsets(%dma_start3A_180 : memref<1xi32, #tpu.memory_space<vmem>>) semaphore(%arg9 : memref<!tpu.dma_semaphore, #tpu.memory_space<semaphore_mem>>)
      } else {
      }
    }
    %scan3A_20 = arith.constant 16 : i32
    %dma_wait3A = arith.constant 0 : i32
    %dma_wait3A_21 = arith.constant 0 : i32
    %dma_wait3A_22 = arith.constant 0 : i32
    %dma_wait3A_23 = tpu.memref_slice %arg2[%dma_wait3A, %dma_wait3A_21, %dma_wait3A_22] : memref<1600x8x4096xf32, #tpu.memory_space<hbm>> -> memref<1x8x4096xf32, #tpu.memory_space<hbm>>
    %dma_wait3A_24 = arith.constant 0 : i32
    %dma_wait3A_25 = arith.constant 0 : i32
    %dma_wait3A_26 = arith.constant 0 : i32
    %dma_wait3A_27 = tpu.memref_slice %arg2[%dma_wait3A_24, %dma_wait3A_25, %dma_wait3A_26] : memref<1600x8x4096xf32, #tpu.memory_space<hbm>> -> memref<1x8x4096xf32, #tpu.memory_space<hbm>>
    tpu.wait_dma2 semaphore(%arg9 : memref<!tpu.dma_semaphore, #tpu.memory_space<semaphore_mem>>) src(%dma_wait3A_27 : memref<1x8x4096xf32, #tpu.memory_space<hbm>>) dst(%arg6 : memref<1x8x4096xf32, #tpu.memory_space<vmem>>)
    %mul3A_28 = arith.constant 50 : i32
    %mul3A_29 = arith.muli %add3A, %mul3A_28 : i32
    %add3A_30 = arith.constant 48 : i32
    %add3A_31 = arith.addi %mul3A_29, %add3A_30 : i32
    %dma_start3A_32 = arith.constant 0 : i32
    %dma_start3A_33 = arith.constant 0 : i32
    %dma_start3A_34 = tpu.memref_slice %arg4[%add3A_31, %dma_start3A_32, %dma_start3A_33] : memref<1600x8x4096xf32, #tpu.memory_space<hbm>> -> memref<1x8x4096xf32, #tpu.memory_space<hbm>>
    %dma_start3A_35 = arith.constant 0 : i32
    %dma_start3A_36 = arith.constant 0 : i32
    %dma_start3A_37 = tpu.memref_slice %arg4[%add3A_31, %dma_start3A_35, %dma_start3A_36] : memref<1600x8x4096xf32, #tpu.memory_space<hbm>> -> memref<1x8x4096xf32, #tpu.memory_space<hbm>>
    tpu.enqueue_dma source(%arg6 : memref<1x8x4096xf32, #tpu.memory_space<vmem>>) target(%dma_start3A_37 : memref<1x8x4096xf32, #tpu.memory_space<hbm>>) target_semaphore(%arg10 : memref<!tpu.dma_semaphore, #tpu.memory_space<semaphore_mem>>)
    %dma_wait3A_38 = arith.constant 0 : i32
    %dma_wait3A_39 = arith.constant 0 : i32
    %dma_wait3A_40 = arith.constant 0 : i32
    %dma_wait3A_41 = tpu.memref_slice %arg4[%dma_wait3A_38, %dma_wait3A_39, %dma_wait3A_40] : memref<1600x8x4096xf32, #tpu.memory_space<hbm>> -> memref<1x8x4096xf32, #tpu.memory_space<hbm>>
    %dma_wait3A_42 = arith.constant 0 : i32
    %dma_wait3A_43 = arith.constant 0 : i32
    %dma_wait3A_44 = arith.constant 0 : i32
    %dma_wait3A_45 = tpu.memref_slice %arg4[%dma_wait3A_42, %dma_wait3A_43, %dma_wait3A_44] : memref<1600x8x4096xf32, #tpu.memory_space<hbm>> -> memref<1x8x4096xf32, #tpu.memory_space<hbm>>
    tpu.wait_dma2 semaphore(%arg10 : memref<!tpu.dma_semaphore, #tpu.memory_space<semaphore_mem>>) src(%arg6 : memref<1x8x4096xf32, #tpu.memory_space<vmem>>) dst(%dma_wait3A_45 : memref<1x8x4096xf32, #tpu.memory_space<hbm>>)
    %dma_wait3A_46 = arith.constant 0 : i32
    %dma_wait3A_47 = arith.constant 0 : i32
    %dma_wait3A_48 = arith.constant 0 : i32
    %dma_wait3A_49 = tpu.memref_slice %arg2[%dma_wait3A_46, %dma_wait3A_47, %dma_wait3A_48] : memref<1600x8x4096xf32, #tpu.memory_space<hbm>> -> memref<1x8x4096xf32, #tpu.memory_space<hbm>>
    %dma_wait3A_50 = arith.constant 0 : i32
    %dma_wait3A_51 = arith.constant 0 : i32
    %dma_wait3A_52 = arith.constant 0 : i32
    %dma_wait3A_53 = tpu.memref_slice %arg2[%dma_wait3A_50, %dma_wait3A_51, %dma_wait3A_52] : memref<1600x8x4096xf32, #tpu.memory_space<hbm>> -> memref<1x8x4096xf32, #tpu.memory_space<hbm>>
    tpu.wait_dma2 semaphore(%arg9 : memref<!tpu.dma_semaphore, #tpu.memory_space<semaphore_mem>>) src(%dma_wait3A_53 : memref<1x8x4096xf32, #tpu.memory_space<hbm>>) dst(%arg7 : memref<1x8x4096xf32, #tpu.memory_space<vmem>>)
    %mul3A_54 = arith.constant 50 : i32
    %mul3A_55 = arith.muli %add3A, %mul3A_54 : i32
    %add3A_56 = arith.constant 49 : i32
    %add3A_57 = arith.addi %mul3A_55, %add3A_56 : i32
    %dma_start3A_58 = arith.constant 0 : i32
    %dma_start3A_59 = arith.constant 0 : i32
    %dma_start3A_60 = tpu.memref_slice %arg4[%add3A_57, %dma_start3A_58, %dma_start3A_59] : memref<1600x8x4096xf32, #tpu.memory_space<hbm>> -> memref<1x8x4096xf32, #tpu.memory_space<hbm>>
    %dma_start3A_61 = arith.constant 0 : i32
    %dma_start3A_62 = arith.constant 0 : i32
    %dma_start3A_63 = tpu.memref_slice %arg4[%add3A_57, %dma_start3A_61, %dma_start3A_62] : memref<1600x8x4096xf32, #tpu.memory_space<hbm>> -> memref<1x8x4096xf32, #tpu.memory_space<hbm>>
    tpu.enqueue_dma source(%arg7 : memref<1x8x4096xf32, #tpu.memory_space<vmem>>) target(%dma_start3A_63 : memref<1x8x4096xf32, #tpu.memory_space<hbm>>) target_semaphore(%arg10 : memref<!tpu.dma_semaphore, #tpu.memory_space<semaphore_mem>>)
    %dma_wait3A_64 = arith.constant 0 : i32
    %dma_wait3A_65 = arith.constant 0 : i32
    %dma_wait3A_66 = arith.constant 0 : i32
    %dma_wait3A_67 = tpu.memref_slice %arg4[%dma_wait3A_64, %dma_wait3A_65, %dma_wait3A_66] : memref<1600x8x4096xf32, #tpu.memory_space<hbm>> -> memref<1x8x4096xf32, #tpu.memory_space<hbm>>
    %dma_wait3A_68 = arith.constant 0 : i32
    %dma_wait3A_69 = arith.constant 0 : i32
    %dma_wait3A_70 = arith.constant 0 : i32
    %dma_wait3A_71 = tpu.memref_slice %arg4[%dma_wait3A_68, %dma_wait3A_69, %dma_wait3A_70] : memref<1600x8x4096xf32, #tpu.memory_space<hbm>> -> memref<1x8x4096xf32, #tpu.memory_space<hbm>>
    tpu.wait_dma2 semaphore(%arg10 : memref<!tpu.dma_semaphore, #tpu.memory_space<semaphore_mem>>) src(%arg7 : memref<1x8x4096xf32, #tpu.memory_space<vmem>>) dst(%dma_wait3A_71 : memref<1x8x4096xf32, #tpu.memory_space<hbm>>)
    %dma_wait3A_72 = arith.constant 0 : i32
    %dma_wait3A_73 = arith.constant 0 : i32
    %dma_wait3A_74 = arith.constant 0 : i32
    %dma_wait3A_75 = tpu.memref_slice %arg4[%dma_wait3A_72, %dma_wait3A_73, %dma_wait3A_74] : memref<1600x8x4096xf32, #tpu.memory_space<hbm>> -> memref<1x8x4096xf32, #tpu.memory_space<hbm>>
    %dma_wait3A_76 = arith.constant 0 : i32
    %dma_wait3A_77 = arith.constant 0 : i32
    %dma_wait3A_78 = arith.constant 0 : i32
    %dma_wait3A_79 = tpu.memref_slice %arg4[%dma_wait3A_76, %dma_wait3A_77, %dma_wait3A_78] : memref<1600x8x4096xf32, #tpu.memory_space<hbm>> -> memref<1x8x4096xf32, #tpu.memory_space<hbm>>
    tpu.wait_dma2 semaphore(%arg10 : memref<!tpu.dma_semaphore, #tpu.memory_space<semaphore_mem>>) src(%arg6 : memref<1x8x4096xf32, #tpu.memory_space<vmem>>) dst(%dma_wait3A_79 : memref<1x8x4096xf32, #tpu.memory_space<hbm>>)
    return
  }
}

</mosaic_0001>

<sc_bundles>
// kernel: kernel.3.cloned.1.call-start
scs
__scs_entry_jumppad:
0x0: {  	(pc) =	sbr.rel $0x88, $3  }
0x1: {  	(tag) =	ssettag $0x0;
	lr =	simm.s32 $0x1  }
0x2: {  	[smem:$0x3F9F] =	sst lr;
	_ =	strace $0xD0000000  }
0x3: {  	_ = 	snop  }
0x4: {  	_ = 	snop  }
0x5: {  	_ = 	snop  }
0x6: {  	_ = 	snop  }
0x7: {  	_ = 	snop  }
__scs_overlays_trampoline_lowered:
0x8: {  	[smem:$0x3FAE] =	sst s0  }
0x9: {  	[smem:$0x3FAF] =	sst s1  }
0xa: {  	[smem:$0x3FB0] =	sst s2  }
0xb: {  	[smem:$0x3FB1] =	sst s3  }
0xc: {  	[smem:$0x3FB2] =	sst s4  }
0xd: {  	[smem:$0x3FB3] =	sst s5  }
0xe: {  	[smem:$0x3FB4] =	sst s6  }
0xf: {  	[smem:$0x3FB5] =	sst s7  }
0x10: {  	[smem:$0x3FB6] =	sst s8  }
0x11: {  	[smem:$0x3FB7] =	sst s9;
	s0 =	simm.s32 @!p0 $0x0  }
0x12: {  	s1 =	sld [smem:$0x3F9D];
	s0 =	simm.s32 @p0 $0x1  }
0x13: {  	[smem:$0x3FB8] =	sst s0;
	s0 =	simm.s32 @!p1 $0x0  }
0x14: {  	s2 =	sld [smem:$0x3F9C];
	s0 =	simm.s32 @p1 $0x1  }
0x15: {  	[smem:$0x3FB9] =	sst s0;
	s0 =	simm.s32 @!p2 $0x0  }
0x16: {  	s3 =	sld [smem:$0x3FDB];
	s0 =	simm.s32 @p2 $0x1  }
0x17: {  	s4 =	simm.s32 $0x1BF5;
	[smem:$0x3FBB] =	sst s0  }
0x18: {  	s0 =	sld [smem:$0x3F9E];
	_ =	swait.ge [sflag:s4], $0x0  }
0x19: {  	s7 =	sld [smem:$0x3F9F]  }
0x1a: {  	s8 =	sadd.s32 $0xFFFFE003, lr  }
0x1b: {  	s9 =	sadd.s32 $0xFFFFFEF7, lr;
	s5 =	simm.s32 $0xFFFFFFFF;
	p2 =	slt.u32 s8, $0xFFFFF086  }
0x1c: {  	p1 =	slt.u32 s9, $0xF7A;
	s5 =	simm.s32 @!p2 $0x0  }
0x1d: {  	s5 =	simm.s32 @p1 $0x1;
	p0 =	seq.s32 s7, s2  }
0x1e: {  	s7 =	smul.u32 @!p0 $0xF7A, s2;
	p2 =	seq.s32 @!p0 s5, $0x0  }
0x1f: {  	s9 =	smul.u32 $0xF7A, s1;
	s8 =	simm.s32 @!p0 $0x1BF5;
	p2 =	por !p2, p0  }
0x20: {  	[sflag:s8] =	ssyncset.s32 @!p0 $0xFFFFF086;
	s6 =	sadd.s32 @!p0 s3, s7;
	s7 =	simm.s32 @!p0 $0x108  }
0x21: {  	s3 =	sadd.s32 s3, s9;
	s6 =	sadd.s32 @!p0 $0x88, s6;
	s7 =	simm.s32 @p2 $0x1082  }
0x22: {  	[simem:s7], [sflag:s8] =	dma.local @!p0 [hbm:s6], $0xF7A  }
0x23: {  	s9 =	sor.u32 $0xD0000000, s2;
	s6 =	simm.s32 $0x108;
	_ =	swait.ge @!p0 [sflag:s8], $0x0  }
0x24: {  	s3 =	sadd.s32 $0x88, s3;
	s6 =	simm.s32 @!p1 $0x1082;
	[sflag:s4] =	ssyncset.s32 $0xFFFFF086  }
0x25: {  	[simem:s6], [sflag:s4] =	dma.local [hbm:s3], $0xF7A  }
0x26: {  	[smem:$0x3F9F] =	sst s1;
	(tag) =	ssettag s2;
	_ =	strace s9  }
0x27: {  	s1 =	sld [smem:$0x3FAF]  }
0x28: {  	s2 =	sld [smem:$0x3FB0]  }
0x29: {  	s4 =	sld [smem:$0x3FB2]  }
0x2a: {  	p0 =	seq.s32 s5, $0x0;
	s5 =	sld [smem:$0x3FB3]  }
0x2b: {  	s6 =	sld [smem:$0x3FB4]  }
0x2c: {  	s7 =	sld [smem:$0x3FB5]  }
0x2d: {  	s3 =	simm.s32 $0x108;
	s8 =	sld [smem:$0x3FB6]  }
0x2e: {  	s3 =	simm.s32 @!p0 $0x1082;
	s9 =	sld [smem:$0x3FB7]  }
0x2f: {  	lr =	sadd.s32 s0, s3;
	s0 =	sld [smem:$0x3FAE]  }
0x30: {  	s3 =	sld [smem:$0x3FB1]  }
0x31: {  	[smem:$0x3FBA] =	sst s10  }
0x32: {  	s10 =	sld [smem:$0x3FB8];
	_ =	sdelay $0x3  }
0x33: {  	p0 =	seq.s32 s10, $0x1;
	s10 =	sld [smem:$0x3FBA];
	_ =	sdelay $0x3  }
0x34: {  	[smem:$0x3FBA] =	sst s10  }
0x35: {  	s10 =	sld [smem:$0x3FB9];
	_ =	sdelay $0x3  }
0x36: {  	p1 =	seq.s32 s10, $0x1;
	s10 =	sld [smem:$0x3FBA];
	_ =	sdelay $0x3  }
0x37: {  	[smem:$0x3FBA] =	sst s10  }
0x38: {  	s10 =	sld [smem:$0x3FBB]  }
0x39: {  	_ = 	snop;
	(pc) =	sbr.ind lr, $3  }
0x3a: {  	_ = 	snop  }
0x3b: {  	_ = 	snop  }
0x3c: {  	p2 =	seq.s32 s10, $0x1;
	s10 =	sld [smem:$0x3FBA]  }
0x3d: {  	_ =	shalt  }
0x3e: {  	_ =	shalt  }
0x3f: {  	_ =	shalt  }
0x40: {  	_ =	shalt  }
0x41: {  	_ =	shalt  }
0x42: {  	_ =	shalt  }
0x43: {  	_ =	shalt  }
0x44: {  	_ =	shalt  }
0x45: {  	_ =	shalt  }
0x46: {  	_ =	shalt  }
0x47: {  	_ =	shalt  }
0x48: {  	_ =	shalt  }
0x49: {  	_ =	shalt  }
0x4a: {  	_ =	shalt  }
0x4b: {  	_ =	shalt  }
0x4c: {  	_ =	shalt  }
0x4d: {  	_ =	shalt  }
0x4e: {  	_ =	shalt  }
0x4f: {  	_ =	shalt  }
0x50: {  	_ =	shalt  }
0x51: {  	_ =	shalt  }
0x52: {  	_ =	shalt  }
0x53: {  	_ =	shalt  }
0x54: {  	_ =	shalt  }
0x55: {  	_ =	shalt  }
0x56: {  	_ =	shalt  }
0x57: {  	_ =	shalt  }
0x58: {  	_ =	shalt  }
0x59: {  	_ =	shalt  }
0x5a: {  	_ =	shalt  }
0x5b: {  	_ =	shalt  }
0x5c: {  	_ =	shalt  }
0x5d: {  	_ =	shalt  }
0x5e: {  	_ =	shalt  }
0x5f: {  	_ =	shalt  }
0x60: {  	_ =	shalt  }
0x61: {  	_ =	shalt  }
0x62: {  	_ =	shalt  }
0x63: {  	_ =	shalt  }
0x64: {  	_ =	shalt  }
0x65: {  	_ =	shalt  }
0x66: {  	_ =	shalt  }
0x67: {  	_ =	shalt  }
0x68: {  	_ =	shalt  }
0x69: {  	_ =	shalt  }
0x6a: {  	_ =	shalt  }
0x6b: {  	_ =	shalt  }
0x6c: {  	_ =	shalt  }
0x6d: {  	_ =	shalt  }
0x6e: {  	_ =	shalt  }
0x6f: {  	_ =	shalt  }
0x70: {  	_ =	shalt  }
0x71: {  	_ =	shalt  }
0x72: {  	_ =	shalt  }
0x73: {  	_ =	shalt  }
0x74: {  	_ =	shalt  }
0x75: {  	_ =	shalt  }
0x76: {  	_ =	shalt  }
0x77: {  	_ =	shalt  }
0x78: {  	_ =	shalt  }
0x79: {  	_ =	shalt  }
0x7a: {  	_ =	shalt  }
0x7b: {  	_ =	shalt  }
0x7c: {  	_ =	shalt  }
0x7d: {  	_ =	shalt  }
0x7e: {  	_ =	shalt  }
0x7f: {  	_ =	shalt  }
0x80: {  	_ =	shalt  }
0x81: {  	_ =	shalt  }
0x82: {  	_ =	shalt  }
0x83: {  	_ =	shalt  }
0x84: {  	_ =	shalt  }
0x85: {  	_ =	shalt  }
0x86: {  	_ =	shalt  }
0x87: {  	_ =	shalt  }
.Lfunc_end0:
.L_simem_size_0:
called_computation_lowered:
.L_overlay_start_0:
0x88: {  	s2 =	sld [smem:$0x3FD9]  }
0x89: {  	s3 =	sld [smem:$0x3FFE];
	_ =	sdelay $0x1  }
0x8a: {  	s1 =	srdreg.scid  }
0x8b: {  	s0 =	sand.u32 $0x1, s1  }
0x8c: {  	s17 =	sshll.u32 s0, $0xA;
	s2 =	sadd.s32 s3, s2  }
0x8d: {  	s2 =	sadd.s32 s2, s17  }
0x8e: {  	[smem:$0x3FC6] =	sst s2  }
0x8f: {  	_ = 	snop  }
0x90: {  	s2 =	sld [smem:$0x3FC9]  }
0x91: {  	s18 =	sld [smem:$0x3FD0];
	(tm) =	ssettm $0x1  }
0x92: {  	s4 =	sld [smem:$0x3FFB];
	_ =	sdelay $0x3  }
0x93: {  	_ =	strace s4  }
0x94: {  	s4 =	sld [smem:$0x3FFC];
	_ =	sdelay $0x3  }
0x95: {  	_ =	strace s4  }
0x96: {  	s4 =	sld [smem:$0x3FFD];
	_ =	sdelay $0x3  }
0x97: {  	_ =	strace s4  }
0x98: {  	_ =	strace $0x8FFFFFFF  }
0x99: {  	s19 =	sld [smem:$0x3FDB];
	_ =	sdelay $0x1  }
0x9a: {  	s5 =	simm.s32 $_scs_section_size  }
0x9b: {  	s6 =	simm.s32 $_size__tile_overlayer_lowered;
	s7 =	simm.s32 $_tile_overlayer_lowered  }
0x9c: {  	s22 =	simm.s32 $0x1BFF;
	s21 =	sshll.u32 s7, $0x1;
	s4 =	sadd.s32 s5, s19  }
0x9d: {  	s8 =	simm.s32 $0x0;
	s20 =	sshll.u32 s6, $0x1;
	s6 =	sadd.s32 s21, s4  }
0x9e: {  	[timem:s8], [sflag:s22] =	dma.local [hbm:s6], s20  }
0x9f: {  	_ =	swait.ge [sflag:s22], s20  }
0xa0: {  	s5 =	ssub.s32 $0x0, s20;
	[sflag:s22] =	ssyncset.done $0x0  }
0xa1: {  	[sflag:s22] =	ssyncadd.s32 s5;
	_ =	sdelay $0x1  }
0xa2: {  	s23 =	simm.s32 $0x1B8B  }
0xa3: {  	_ =	swait.ge [sflag:s23], $0x1  }
0xa4: {  	[sflag:s23] =	ssyncset.done $0x0  }
0xa5: {  	s25 =	simm.s32 $0x1B8E;
	s24 =	sld [smem:$0x3FFE];
	[sflag:s23] =	ssyncadd.s32 $0xFFFFFFFF  }
0xa6: {  	s26 =	simm.s32 $execute0_lowered;
	[smem:$0x3FD2] =	sst s25  }
0xa7: {  	s6 =	sshll.u32 s26, $0x1;
	_ =	strace $0x80000046;
	[dreg:$0x1] =	wrdreg $0xFFFFFFFF  }
0xa8: {  	s28 =	simm.s32 $_size_execute0_lowered;
	s4 =	sadd.s32 s4, s6;
	[dreg:$0x0] =	wrdreg $0x0  }
0xa9: {  	s6 =	sshll.u32 s28, $0x1;
	[dreg:$0x2] =	wrdreg s4  }
0xaa: {  	[dreg:$0x3] =	wrdreg s6  }
0xab: {  	[dreg:$0x4] =	wrdreg $0xC0  }
0xac: {  	_ =	task [dreg:s8], $0x5FFFF  }
0xad: {  	[dreg:$0x1] =	wrdreg $0xFFFFFFFF  }
0xae: {  	[dreg:$0x0] =	wrdreg $0x60  }
0xaf: {  	[dreg:$0x2] =	wrdreg s2  }
0xb0: {  	[dreg:$0x3] =	wrdreg s24  }
0xb1: {  	[dreg:$0x4] =	wrdreg s18  }
0xb2: {  	[dreg:$0x5] =	wrdreg $0x9  }
0xb3: {  	_ =	task.clear_ibuf [dreg:s8], $0x6FFFF;
	_ =	strace $0x90000046  }
0xb4: {  	s29 =	simm.s32 $0x9;
	_ =	strace $0x80000048  }
0xb5: {  	_ =	swait.ge [sflag:s29], $0x1  }
0xb6: {  	[sflag:s29] =	ssyncadd.s32 $0xFFFFFFFF  }
0xb7: {  	_ =	strace $0x90000048  }
0xb8: {  	_ =	sfence  }
0xb9: {  	s30 =	sld [smem:$0x0];
	_ =	sdelay $0x2  }
0xba: {  	s31 =	sshll.u32 s1, $0xD;
	s1 =	sshrl.u32 s1, $0x2  }
0xbb: {  	s3 =	sand.u32 $0x4000, s31;
	s1 =	sadd.s32 s1, s30  }
0xbc: {  	s0 =	sor.u32 s3, s0;
	s1 =	sshll.u32 s1, $0x11  }
0xbd: {  	s0 =	sor.u32 s1, s0  }
0xbe: {  	s0 =	sadd.s32 $0x8F2B, s0  }
0xbf: {  	[sflag:s0] =	ssyncadd.remote.s32 $0x1  }
0xc0: {  	_ =	sfence.sel $0xFFFF  }
0xc1: {  	[dreg:$0x0] =	wrdreg $0xFFFFFFFF;
	(pc) =	sbr.abs _section_cstart, $3  }
0xc2: {  	[dreg:$0x1] =	wrdreg $0xFFFFFFFF  }
0xc3: {  	_ =	task.clear_ibuf [dreg:s8], $0x2FFFF;
	_ =	strace $0x9FFFFFFF  }
0xc4: {  	(tm) =	ssettm $0x7FFFFFFF  }
0xc5: {  	_ =	shalt  }
tec
execute0_lowered:
.L_overlay_start_1:
0x0: {  	(tag) =	ssettag $0x1  }
0x1: {  	s1 =	rddreg [dreg:$0x0]  }
0x2: {  	s2 =	srdreg.scid;
	s4 =	rddreg [dreg:$0x1]  }
0x3: {  	s0 =	stileid.u32;
	s9 =	rddreg [dreg:$0x2];
	s3 =	simm.s32 $0x0  }
0x4: {  	s13 =	simm.s32 $0x9C00;
	s14 =	simm.s32 $0x1;
	s15 =	simm.s32 $0x11C00  }
0x5: {  	s16 =	simm.s32 $0x2;
	s17 =	simm.s32 $0x0;
	s10 =	smul.u32 $0x64, s0  }
0x6: {  	s7 =	sand.u32 $0x1, s2;
	s2 =	rddreg [dreg:$0x3];
	s30 =	smul.u32 $0x64000, s0  }
0x7: {  	s28 =	sshll.u32 s0, $0x1;
	[smem:$0x7FF] =	sst s3;
	s12 =	smul.u32 $0x32, s7  }
0x8: {  	s5 =	sor.u32 s7, s28;
	s8 =	ssub.s32 $0x2, s7;
	s31 =	smul.u32 $0x32000, s7  }
0x9: {  	_ =	strace $0x80000047;
	s6 =	smul.u32 $0x380, s5;
	s11 =	sshrl.u32 s8, $0x1  }
0xa: {  	s5 =	smul.u32 $0x190000, s5;
	s8 =	ssub.s32 s8, s11;
	s10 =	sadd.s32 s12, s10  }
0xb: {  	s11 =	sadd.s32 s30, s9;
	s12 =	simm.s32 $0x1C00;
	s4 =	sadd.s32 s6, s4  }
0xc: {  	s5 =	sshrl.u32 s5, $0x3;
	s10 =	sshll.u32 s10, $0xC;
	s7 =	smax.u32 s8, $0x1  }
0xd: {  	s4 =	sadd.s32 $0x400, s4;
	s29 =	sadd.s32 s9, s5;
	s10 =	sadd.s32 s10, s9  }
0xe: {  	s5 =	sadd.s32 $0x30000, s29;
	s6 =	sadd.s32 $0x31000, s29;
	s8 =	sadd.s32 $0x1000, s10  }
0xf: {  	vm0 =	vmmov $0x1;
	v0 =	vlaneseq.u32;
	s9 =	sadd.s32 $0x2000, s10;
	s10 =	sadd.s32 s31, s11;
	s11 =	simm.s32 $0x3  }
.LBB2_1:
0x10: {  	[tilespmem:s3], [sflag:$0x3] =	stream.linear.gather [hbm4b:s4+s3], $0x1900, $0x38;
	[tilespmem:$0x19C00] =	vst v63  }
0x11: {  	_ =	swait.ge [sflag:s11], $0x1900  }
0x12: {  	[sflag:s11] =	ssyncset.done $0x0  }
0x13: {  	[sflag:s11] =	ssyncadd.s32 $0xFFFFE700  }
0x14: {  	v1 =	vld.msk [tilespmem:$0x0], $0x1;
	_ =	sdelay $0x4  }
0x15: {  	v1 =	vshll.u32 v1, $0xF  }
0x16: {  	v1 =	vperm.xlane v1, v0;
	_ =	sdelay $0x5  }
0x17: {  	[tilespmem:s12], [sflag:$0x1] =	stream.indirect_vreg.gather [hbm4b:s1+s3], $0x8000, v1, vm0, $0x38;
	[tilespmem:$0x19C00] =	vst v63  }
0x18: {  	v1 =	vld.msk [tilespmem:$0x80], $0x1;
	_ =	sdelay $0x4  }
0x19: {  	v1 =	vshll.u32 v1, $0xF  }
0x1a: {  	v1 =	vperm.xlane v1, v0;
	_ =	sdelay $0x4  }
0x1b: {  	s18 =	simm.s32 $0x200;
	s19 =	simm.s32 $0x0  }
0x1c: {  	[tilespmem:s13], [sflag:$0x1] =	stream.indirect_vreg.gather [hbm4b:s1+s3], $0x8000, v1, vm0, $0x38;
	[tilespmem:$0x19C00] =	vst v63  }
.LBB2_2:
0x1d: {  	_ =	swait.ge [sflag:s14], $0x8000  }
0x1e: {  	[sflag:s14] =	ssyncset.done $0x0  }
0x1f: {  	s20 =	sadd.s32 s19, s10;
	p0 =	seq.s32 s19, $0x0;
	[sflag:s14] =	ssyncadd.s32 $0xFFFF8000  }
0x20: {  	[hbm4b:s20+s3] =	stream.linear.scatter [tilespmem:s12], [sflag:$0x2], $0x8000, $0x38;
	[tilespmem:$0x19C00] =	vst v63  }
0x21: {  	s20 =	simm.s32 @!p0 $0x2  }
0x22: {  	_ =	swait.ge @!p0 [sflag:s20], $0x8000  }
0x23: {  	[sflag:s20] =	ssyncset.done @!p0 $0x0  }
0x24: {  	[sflag:s20] =	ssyncadd.s32 @!p0 $0xFFFF8000  }
0x25: {  	v1 =	vld.msk [tilespmem:s18+$0xFFFFFF00], $0x1;
	_ =	sdelay $0x4  }
0x26: {  	v1 =	vshll.u32 v1, $0xF  }
0x27: {  	v1 =	vperm.xlane v1, v0;
	_ =	sdelay $0x5  }
0x28: {  	[tilespmem:s15], [sflag:$0x1] =	stream.indirect_vreg.gather [hbm4b:s1+s3], $0x8000, v1, vm0, $0x38;
	[tilespmem:$0x19C00] =	vst v63  }
0x29: {  	_ =	swait.ge [sflag:s14], $0x8000  }
0x2a: {  	[sflag:s14] =	ssyncset.done $0x0  }
0x2b: {  	s30 =	sadd.s32 s19, s8;
	[sflag:s14] =	ssyncadd.s32 $0xFFFF8000  }
0x2c: {  	[hbm4b:s30+s3] =	stream.linear.scatter [tilespmem:s13], [sflag:$0x2], $0x8000, $0x38;
	[tilespmem:$0x19C00] =	vst v63  }
0x2d: {  	_ =	swait.ge [sflag:s16], $0x8000  }
0x2e: {  	[sflag:s16] =	ssyncset.done $0x0  }
0x2f: {  	[sflag:s16] =	ssyncadd.s32 $0xFFFF8000  }
0x30: {  	v1 =	vld.msk [tilespmem:s18+$0xFFFFFF80], $0x1;
	_ =	sdelay $0x4  }
0x31: {  	v1 =	vshll.u32 v1, $0xF  }
0x32: {  	v1 =	vperm.xlane v1, v0;
	_ =	sdelay $0x5  }
0x33: {  	[tilespmem:s12], [sflag:$0x1] =	stream.indirect_vreg.gather [hbm4b:s1+s3], $0x8000, v1, vm0, $0x38;
	[tilespmem:$0x19C00] =	vst v63  }
0x34: {  	_ =	swait.ge [sflag:s14], $0x8000  }
0x35: {  	[sflag:s14] =	ssyncset.done $0x0  }
0x36: {  	s31 =	sadd.s32 s19, s9;
	[sflag:s14] =	ssyncadd.s32 $0xFFFF8000  }
0x37: {  	[hbm4b:s31+s3] =	stream.linear.scatter [tilespmem:s15], [sflag:$0x2], $0x8000, $0x38;
	[tilespmem:$0x19C00] =	vst v63  }
0x38: {  	_ =	swait.ge [sflag:s16], $0x8000  }
0x39: {  	[sflag:s16] =	ssyncset.done $0x0  }
0x3a: {  	[sflag:s16] =	ssyncadd.s32 $0xFFFF8000  }
0x3b: {  	v1 =	vld.msk [tilespmem:s18+$0x0], $0x1;
	_ =	sdelay $0x4  }
0x3c: {  	v1 =	vshll.u32 v1, $0xF  }
0x3d: {  	s19 =	sadd.s32 $0x3000, s19;
	v1 =	vperm.xlane v1, v0  }
0x3e: {  	p0 =	sne.s32 s19, $0x30000  }
.Ltmp0:
0x3f: {  	_ = 	snop;
	(pc) =	sbr.rel @p0 .LBB2_2-.Ltmp0, $3  }
0x40: {  	_ =	sdelay $0x1  }
0x41: {  	s18 =	sadd.s32 $0x180, s18  }
0x42: {  	[tilespmem:s13], [sflag:$0x1] =	stream.indirect_vreg.gather [hbm4b:s1+s3], $0x8000, v1, vm0, $0x38;
	[tilespmem:$0x19C00] =	vst v63  }
0x43: {  	_ =	swait.ge [sflag:s14], $0x8000  }
0x44: {  	[sflag:s14] =	ssyncset.done $0x0  }
0x45: {  	[sflag:s14] =	ssyncadd.s32 $0xFFFF8000  }
0x46: {  	[hbm4b:s5+s3] =	stream.linear.scatter [tilespmem:s12], [sflag:$0x2], $0x8000, $0x38;
	[tilespmem:$0x19C00] =	vst v63  }
0x47: {  	_ =	swait.ge [sflag:s16], $0x8000  }
0x48: {  	[sflag:s16] =	ssyncset.done $0x0  }
0x49: {  	[sflag:s16] =	ssyncadd.s32 $0xFFFF8000  }
0x4a: {  	_ =	swait.ge [sflag:s14], $0x8000  }
0x4b: {  	[sflag:s14] =	ssyncset.done $0x0  }
0x4c: {  	s17 =	sadd.s32 $0x1, s17;
	[sflag:s14] =	ssyncadd.s32 $0xFFFF8000  }
0x4d: {  	[hbm4b:s6+s3] =	stream.linear.scatter [tilespmem:s13], [sflag:$0x2], $0x8000, $0x38;
	[tilespmem:$0x19C00] =	vst v63  }
0x4e: {  	p0 =	sne.s32 s17, s7;
	_ =	swait.ge [sflag:s16], $0x8000  }
.Ltmp1:
0x4f: {  	[sflag:s16] =	ssyncset.done $0x0;
	(pc) =	sbr.rel @p0 .LBB2_1-.Ltmp1, $4  }
0x50: {  	[sflag:s16] =	ssyncadd.s32 $0xFFFF8000  }
0x51: {  	_ =	swait.ge [sflag:s16], $0x8000  }
0x52: {  	[sflag:s16] =	ssyncset.done $0x0  }
0x53: {  	[sflag:s16] =	ssyncadd.s32 $0xFFFF8000  }
0x54: {  	_ =	sfence.sel $0x180000  }
0x55: {  	[bflag:$0x0] =	sbarrier.arrive $0xFFFF  }
0x56: {  	p0 =	sne.s32 s0, $0x0;
	_ =	strace $0x90000047  }
0x57: {  	s0 =	sadd.s32 @!p0 $0x100000, s2;
	[bflag:$0x2] =	sbarrier.arrive $0xFFFF  }
0x58: {  	[sflag:s0] =	ssyncadd.tile.s32 @!p0 $0x1;
	_ =	shalt  }
.Lfunc_end2:
_tile_overlayer_lowered:
.L_overlay_start_2:
0x59: {  	(tag) =	ssettag $0x2  }
0x5a: {  	s0 =	rddreg [dreg:$0x0];
	s2 =	stileid.u32  }
0x5b: {  	s1 =	rddreg [dreg:$0x1];
	p0 =	sne.s32 s2, $0x0  }
0x5c: {  	s3 =	rddreg [dreg:$0x2];
	[bflag:$0x3] =	sbarrier.arrive $0xFFFF;
	s2 =	simm.s32 @!p0 $0x1C03  }
0x5d: {  	[timem:s3], [sflag:s2] =	dma.local @!p0 [hbm:s0], s1  }
0x5e: {  	s0 =	simm.s32 @!p0 $0x3  }
0x5f: {  	_ =	swait.ge @!p0 [sflag:s0], s1  }
0x60: {  	s1 =	ssub.s32 @!p0 $0x0, s1;
	[sflag:s0] =	ssyncset.done @!p0 $0x0  }
0x61: {  	[sflag:s0] =	ssyncadd.s32 @!p0 s1  }
0x62: {  	[bflag:$0x3] =	sbarrier.arrive $0xFFFF  }
0x63: {  	_ =	shalt  }

</sc_bundles>
